<compile_context>
chip_gen: v7x
topology: tpu7x:2x2x1
jax: 0.10.2.dev20260603
libtpu: 0.0.44.dev20260713+nightly
codegen_flags: <defaults>
</compile_context>

<pallas_src>
import functools

import jax
import jax.numpy as jnp
from jax import lax
from jax.experimental import pallas as pl
from jax.experimental.pallas import tpu as pltpu
from jax.experimental.pallas import tpu_sc as plsc

N, E, G, D_IN, D_HID = 10000, 320000, 256, 128, 512

NC, NS = 2, 16
NW = NC * NS
CHUNK = 128
EPT = E // NW
NCHUNK = -(-EPT // CHUNK)
EPT_PAD = NCHUNK * CHUNK
E_PAD = EPT_PAD * NW
N_ACC = 10112
NPS = N_ACC // NS


def _edge_agg_body(v_hbm, src_hbm, dst_hbm, zeros_hbm, out_hbm,
                   acc_shared, src_idx, dst_idx, rows, sem):
    c = lax.axis_index("c")
    s = lax.axis_index("s")
    wid = s * NC + c
    pltpu.sync_copy(zeros_hbm, acc_shared.at[pl.ds(s * NPS, NPS)])
    pltpu.sync_copy(src_hbm.at[wid], src_idx)
    pltpu.sync_copy(dst_hbm.at[wid], dst_idx)
    plsc.subcore_barrier()

    def step(j, carry):
        pltpu.async_copy(v_hbm.at[src_idx.at[j]], rows, sem).wait()
        pltpu.sync_copy(rows, acc_shared.at[dst_idx.at[j]], add=True)
        return carry

    lax.fori_loop(0, NCHUNK, step, 0)
    plsc.subcore_barrier()
    pltpu.sync_copy(acc_shared.at[pl.ds(s * NPS, NPS)],
                    out_hbm.at[c, pl.ds(s * NPS, NPS)])


@functools.lru_cache(maxsize=1)
def _edge_agg():
    return pl.kernel(
        _edge_agg_body,
        out_type=jax.ShapeDtypeStruct((NC, N_ACC, D_IN), jnp.float32),
        mesh=plsc.VectorSubcoreMesh(core_axis_name="c", subcore_axis_name="s",
                                    num_cores=NC, num_subcores=NS),
        scratch_types=[
            pltpu.VMEM_SHARED((N_ACC, D_IN), jnp.float32),
            pltpu.VMEM((NCHUNK, CHUNK), jnp.int32),
            pltpu.VMEM((NCHUNK, CHUNK), jnp.int32),
            pltpu.VMEM((CHUNK, D_IN), jnp.float32),
            pltpu.SemaphoreType.DMA,
        ],
    )


BLK = 1000
GRID = N // BLK


def _bdot(a, b):
    return jnp.dot(a.astype(jnp.bfloat16), b.astype(jnp.bfloat16),
                   preferred_element_type=jnp.float32)


def _mlp_pool_head_body(v_ref, agg_ref, batch_ref, w1_ref, b1_ref,
                        w2_ref, b2_ref, wl1_ref, bl1_ref, gamma_ref, beta_ref,
                        wa_ref, ba_ref, wc_ref, bc_ref, av_ref,
                        out_ref, sums_ref, counts_ref):
    i = pl.program_id(0)
    x = v_ref[...] + agg_ref[0] + agg_ref[1]
    h1 = jnp.maximum(_bdot(x, w1_ref[...]) + b1_ref[...], 0.0)
    h = _bdot(h1, w2_ref[...]) + b2_ref[...]
    b = batch_ref[...].reshape(1, BLK)
    gid = lax.broadcasted_iota(jnp.int32, (G, BLK), 0)
    et = (gid == b).astype(jnp.float32)
    part = jnp.dot(et, h, preferred_element_type=jnp.float32,
                precision=lax.Precision.HIGHEST)
    cpart = jnp.sum(et, axis=1, keepdims=True)

    @pl.when(i == 0)
    def _():
        sums_ref[...] = part
        counts_ref[...] = cpart

    @pl.when(i > 0)
    def _():
        sums_ref[...] += part
        counts_ref[...] += cpart

    @pl.when(i == GRID - 1)
    def _():
        pooled = sums_ref[...] / jnp.maximum(counts_ref[...], 1.0)
        x2 = _bdot(pooled, wl1_ref[...]) + bl1_ref[...]
        mu = jnp.mean(x2, axis=0, keepdims=True)
        var = jnp.mean((x2 - mu) ** 2, axis=0, keepdims=True)
        x2 = gamma_ref[...] * (x2 - mu) / jnp.sqrt(var + 1e-5) + beta_ref[...]
        x2 = jnp.maximum(x2, 0.0)
        x3 = _bdot(x2, wa_ref[...]) + ba_ref[...]
        x3 = av_ref[...] * x3
        out_ref[...] = _bdot(x3, wc_ref[...]) + bc_ref[...]


def _full(shape):
    return pl.BlockSpec(shape, lambda i: tuple(0 for _ in shape))


_mlp_pool_head = pl.pallas_call(
    _mlp_pool_head_body,
    grid=(GRID,),
    in_specs=[
        pl.BlockSpec((BLK, D_IN), lambda i: (i, 0)),
        pl.BlockSpec((NC, BLK, D_IN), lambda i: (0, i, 0)),
        pl.BlockSpec((1, 1, BLK), lambda i: (i, 0, 0)),
        _full((D_IN, D_HID)),
        _full((1, D_HID)),
        _full((D_HID, D_HID)),
        _full((1, D_HID)),
        _full((D_HID, G)),
        _full((1, G)),
        _full((1, G)),
        _full((1, G)),
        _full((G, 3)),
        _full((1, 3)),
        _full((3, 1)),
        _full((1, 1)),
        _full((G, 3)),
    ],
    out_specs=pl.BlockSpec((G, 1), lambda i: (0, 0)),
    out_shape=jax.ShapeDtypeStruct((G, 1), jnp.float32),
    scratch_shapes=[
        pltpu.VMEM((G, D_HID), jnp.float32),
        pltpu.VMEM((G, 1), jnp.float32),
    ],
)


def kernel(v, attack_vector, edges, batch, W1, b1, W2, b2, Wl1, bl1,
           gamma, beta, Wa, ba, Wc, bc):
    src, dst = edges[0], edges[1]
    pad = E_PAD - E
    src_p = jnp.concatenate(
        [src, jnp.zeros((pad,), jnp.int32)]).reshape(NW, NCHUNK, CHUNK)
    dst_p = jnp.concatenate(
        [dst, jnp.full((pad,), N, jnp.int32)]).reshape(NW, NCHUNK, CHUNK)
    zeros = jnp.zeros((NPS, D_IN), jnp.float32)
    aggp = _edge_agg()(v, src_p, dst_p, zeros)
    return _mlp_pool_head(
        v, aggp, batch.reshape(GRID, 1, BLK),
        W1, b1.reshape(1, D_HID), W2, b2.reshape(1, D_HID),
        Wl1, bl1.reshape(1, G), gamma.reshape(1, G), beta.reshape(1, G),
        Wa, ba.reshape(1, 3), Wc, bc.reshape(1, 1), attack_vector)

# --- scband reference (transcript-rebuilt; emitter-appended) ---
"""Pipeline reference for scband-drug-regression-model-3994319586084 (READ-ONLY COPY).

The authoritative reference and input builder live on the scoring server;
editing this copy changes nothing except your own understanding.
"""

import jax, jax.numpy as jnp
import numpy as np

N, E, G, D_IN, D_HID = 10000, 320000, 256, 128, 512

def setup_inputs(seed: int = 0) -> dict:
    key = jax.random.key(seed)
    ks = jax.random.split(key, 20)
    v = jax.random.normal(ks[0], (N, D_IN), dtype=jnp.float32)
    attack_vector = jax.random.normal(ks[1], (G, 3), dtype=jnp.float32)
    edges = jax.random.randint(ks[2], (2, E), 0, N, dtype=jnp.int32)
    batch = jnp.sort(jax.random.randint(ks[3], (N,), 0, G, dtype=jnp.int32))
    # GIN MLP params (Linear(128,512) -> ReLU -> Linear(512,512))
    W1 = jax.random.normal(ks[4], (D_IN, D_HID), dtype=jnp.float32) * 0.05
    b1 = jnp.zeros((D_HID,), dtype=jnp.float32)
    W2 = jax.random.normal(ks[5], (D_HID, D_HID), dtype=jnp.float32) * 0.05
    b2 = jnp.zeros((D_HID,), dtype=jnp.float32)
    # linear1: 512 -> 256
    Wl1 = jax.random.normal(ks[6], (512, 256), dtype=jnp.float32) * 0.05
    bl1 = jnp.zeros((256,), dtype=jnp.float32)
    # BatchNorm1d(256)
    gamma = jnp.ones((256,), dtype=jnp.float32)
    beta = jnp.zeros((256,), dtype=jnp.float32)
    # attack_attention: 256 -> 3
    Wa = jax.random.normal(ks[7], (256, 3), dtype=jnp.float32) * 0.05
    ba = jnp.zeros((3,), dtype=jnp.float32)
    # classifier: 3 -> num_labels (1)
    Wc = jax.random.normal(ks[8], (3, 1), dtype=jnp.float32) * 0.05
    bc = jnp.zeros((1,), dtype=jnp.float32)
    return {"v": v, "attack_vector": attack_vector, "edges": edges, "batch": batch,
            "W1": W1, "b1": b1, "W2": W2, "b2": b2, "Wl1": Wl1, "bl1": bl1,
            "gamma": gamma, "beta": beta, "Wa": Wa, "ba": ba, "Wc": Wc, "bc": bc}

def reference(v, attack_vector, edges, batch, W1, b1, W2, b2, Wl1, bl1, gamma, beta, Wa, ba, Wc, bc):
    n = v.shape[0]
    g = attack_vector.shape[0]
    src, dst = edges[0], edges[1]
    # GIN layer: h = MLP((1+eps)*x + sum_{j in N(i)} x_j), eps=0
    agg = jax.ops.segment_sum(v[src], dst, num_segments=n)
    h = v + agg
    h = jax.nn.relu(h @ W1 + b1) @ W2 + b2
    # global_mean_pool
    sums = jax.ops.segment_sum(h, batch, num_segments=g)
    counts = jax.ops.segment_sum(jnp.ones((n,), h.dtype), batch, num_segments=g)
    pooled = sums / jnp.maximum(counts, 1.0)[:, None]
    # linear1 -> BN(train mode) -> ReLU
    x = pooled @ Wl1 + bl1
    mu = jnp.mean(x, axis=0)
    var = jnp.var(x, axis=0)
    x = gamma * (x - mu) / jnp.sqrt(var + 1e-5) + beta
    x = jax.nn.relu(x)
    # attack attention + elementwise attack_vector gating
    x = x @ Wa + ba
    x = attack_vector * x
    # classifier
    x = x @ Wc + bc
    return x

if __name__ == "__main__":
    import jax
    _d = setup_inputs()
    print(jax.jit(kernel)(*tuple(_d.values())))

</pallas_src>

<mosaic_0001>
#map = affine_map<(d0, d1) -> (0, 0)>
#map1 = affine_map<(d0, d1) -> (0, 0, 0)>
module attributes {stable_mosaic.version = 14 : i64} {
  func.func @_edge_agg_body(%arg0: i32, %arg1: i32, %arg2: memref<10000x128xf32, #tpu.memory_space<hbm>>, %arg3: memref<32x79x128xi32, #tpu.memory_space<hbm>>, %arg4: memref<32x79x128xi32, #tpu.memory_space<hbm>>, %arg5: memref<632x128xf32, #tpu.memory_space<hbm>>, %arg6: memref<2x10112x128xf32, #tpu.memory_space<hbm>>, %arg7: memref<10112x128xf32, #tpu.memory_space<vmem_shared>>, %arg8: memref<79x128xi32, #tpu.memory_space<vmem>>, %arg9: memref<79x128xi32, #tpu.memory_space<vmem>>, %arg10: memref<128x128xf32, #tpu.memory_space<vmem>>, %arg11: memref<!tpu.dma_semaphore, #tpu.memory_space<semaphore_mem>>) attributes {dimension_semantics = [#tpu.dimension_semantics<core_parallel>, #tpu.dimension_semantics<subcore_parallel>], iteration_bounds = array<i64: 2, 16>, scalar_prefetch = 0 : i64, scratch_operands = 5 : i64, tpu.core_type = #tpu.core_type<sc_vector_subcore>, window_params = [{transform_indices = #map}, {transform_indices = #map1}, {transform_indices = #map1}, {transform_indices = #map}, {transform_indices = #map1}]} {
    %mul3A = arith.constant 2 : i32
    %mul3A_0 = arith.muli %arg1, %mul3A : i32
    %add3A = arith.addi %mul3A_0, %arg0 : i32
    %mul3A_1 = arith.constant 632 : i32
    %mul3A_2 = arith.muli %arg1, %mul3A_1 : i32
    "tpu.region"() ({
      %run_scoped3A = tpu.sem_alloc : memref<!tpu.dma_semaphore, #tpu.memory_space<semaphore_mem>>
      %dma_start3A = arith.constant 0 : i32
      %dma_start3A_13 = tpu.memref_slice %arg7[%mul3A_2, %dma_start3A] : memref<10112x128xf32, #tpu.memory_space<vmem_shared>> -> memref<632x128xf32, #tpu.memory_space<vmem_shared>>
      tpu.enqueue_dma source(%arg5 : memref<632x128xf32, #tpu.memory_space<hbm>>) target(%dma_start3A_13 : memref<632x128xf32, #tpu.memory_space<vmem_shared>>) target_semaphore(%run_scoped3A : memref<!tpu.dma_semaphore, #tpu.memory_space<semaphore_mem>>)
      %dma_wait3A = arith.constant 0 : i32
      %dma_wait3A_14 = tpu.memref_slice %arg7[%mul3A_2, %dma_wait3A] : memref<10112x128xf32, #tpu.memory_space<vmem_shared>> -> memref<632x128xf32, #tpu.memory_space<vmem_shared>>
      tpu.wait_dma2 semaphore(%run_scoped3A : memref<!tpu.dma_semaphore, #tpu.memory_space<semaphore_mem>>) src(%arg5 : memref<632x128xf32, #tpu.memory_space<hbm>>) dst(%dma_wait3A_14 : memref<632x128xf32, #tpu.memory_space<vmem_shared>>)
      tpu.yield
    }) : () -> ()
    "tpu.region"() ({
      %run_scoped3A = tpu.sem_alloc : memref<!tpu.dma_semaphore, #tpu.memory_space<semaphore_mem>>
      %dma_start3A = arith.constant 0 : i32
      %dma_start3A_13 = arith.constant 0 : i32
      %dma_start3A_14 = tpu.memref_slice %arg3[%add3A, %dma_start3A, %dma_start3A_13] : memref<32x79x128xi32, #tpu.memory_space<hbm>> -> memref<1x79x128xi32, #tpu.memory_space<hbm>>
      %dma_start3A_15 = tpu.memref_squeeze %dma_start3A_14 : memref<1x79x128xi32, #tpu.memory_space<hbm>> -> memref<79x128xi32, #tpu.memory_space<hbm>>
      %dma_start3A_16 = arith.constant 0 : i32
      %dma_start3A_17 = arith.constant 0 : i32
      %dma_start3A_18 = tpu.memref_slice %arg3[%add3A, %dma_start3A_16, %dma_start3A_17] : memref<32x79x128xi32, #tpu.memory_space<hbm>> -> memref<1x79x128xi32, #tpu.memory_space<hbm>>
      %dma_start3A_19 = tpu.memref_squeeze %dma_start3A_18 : memref<1x79x128xi32, #tpu.memory_space<hbm>> -> memref<79x128xi32, #tpu.memory_space<hbm>>
      tpu.enqueue_dma source(%dma_start3A_19 : memref<79x128xi32, #tpu.memory_space<hbm>>) target(%arg8 : memref<79x128xi32, #tpu.memory_space<vmem>>) target_semaphore(%run_scoped3A : memref<!tpu.dma_semaphore, #tpu.memory_space<semaphore_mem>>)
      %dma_wait3A = arith.constant 0 : i32
      %dma_wait3A_20 = arith.constant 0 : i32
      %dma_wait3A_21 = tpu.memref_slice %arg3[%add3A, %dma_wait3A, %dma_wait3A_20] : memref<32x79x128xi32, #tpu.memory_space<hbm>> -> memref<1x79x128xi32, #tpu.memory_space<hbm>>
      %dma_wait3A_22 = tpu.memref_squeeze %dma_wait3A_21 : memref<1x79x128xi32, #tpu.memory_space<hbm>> -> memref<79x128xi32, #tpu.memory_space<hbm>>
      %dma_wait3A_23 = arith.constant 0 : i32
      %dma_wait3A_24 = arith.constant 0 : i32
      %dma_wait3A_25 = tpu.memref_slice %arg3[%add3A, %dma_wait3A_23, %dma_wait3A_24] : memref<32x79x128xi32, #tpu.memory_space<hbm>> -> memref<1x79x128xi32, #tpu.memory_space<hbm>>
      %dma_wait3A_26 = tpu.memref_squeeze %dma_wait3A_25 : memref<1x79x128xi32, #tpu.memory_space<hbm>> -> memref<79x128xi32, #tpu.memory_space<hbm>>
      tpu.wait_dma2 semaphore(%run_scoped3A : memref<!tpu.dma_semaphore, #tpu.memory_space<semaphore_mem>>) src(%dma_wait3A_26 : memref<79x128xi32, #tpu.memory_space<hbm>>) dst(%arg8 : memref<79x128xi32, #tpu.memory_space<vmem>>)
      tpu.yield
    }) : () -> ()
    "tpu.region"() ({
      %run_scoped3A = tpu.sem_alloc : memref<!tpu.dma_semaphore, #tpu.memory_space<semaphore_mem>>
      %dma_start3A = arith.constant 0 : i32
      %dma_start3A_13 = arith.constant 0 : i32
      %dma_start3A_14 = tpu.memref_slice %arg4[%add3A, %dma_start3A, %dma_start3A_13] : memref<32x79x128xi32, #tpu.memory_space<hbm>> -> memref<1x79x128xi32, #tpu.memory_space<hbm>>
      %dma_start3A_15 = tpu.memref_squeeze %dma_start3A_14 : memref<1x79x128xi32, #tpu.memory_space<hbm>> -> memref<79x128xi32, #tpu.memory_space<hbm>>
      %dma_start3A_16 = arith.constant 0 : i32
      %dma_start3A_17 = arith.constant 0 : i32
      %dma_start3A_18 = tpu.memref_slice %arg4[%add3A, %dma_start3A_16, %dma_start3A_17] : memref<32x79x128xi32, #tpu.memory_space<hbm>> -> memref<1x79x128xi32, #tpu.memory_space<hbm>>
      %dma_start3A_19 = tpu.memref_squeeze %dma_start3A_18 : memref<1x79x128xi32, #tpu.memory_space<hbm>> -> memref<79x128xi32, #tpu.memory_space<hbm>>
      tpu.enqueue_dma source(%dma_start3A_19 : memref<79x128xi32, #tpu.memory_space<hbm>>) target(%arg9 : memref<79x128xi32, #tpu.memory_space<vmem>>) target_semaphore(%run_scoped3A : memref<!tpu.dma_semaphore, #tpu.memory_space<semaphore_mem>>)
      %dma_wait3A = arith.constant 0 : i32
      %dma_wait3A_20 = arith.constant 0 : i32
      %dma_wait3A_21 = tpu.memref_slice %arg4[%add3A, %dma_wait3A, %dma_wait3A_20] : memref<32x79x128xi32, #tpu.memory_space<hbm>> -> memref<1x79x128xi32, #tpu.memory_space<hbm>>
      %dma_wait3A_22 = tpu.memref_squeeze %dma_wait3A_21 : memref<1x79x128xi32, #tpu.memory_space<hbm>> -> memref<79x128xi32, #tpu.memory_space<hbm>>
      %dma_wait3A_23 = arith.constant 0 : i32
      %dma_wait3A_24 = arith.constant 0 : i32
      %dma_wait3A_25 = tpu.memref_slice %arg4[%add3A, %dma_wait3A_23, %dma_wait3A_24] : memref<32x79x128xi32, #tpu.memory_space<hbm>> -> memref<1x79x128xi32, #tpu.memory_space<hbm>>
      %dma_wait3A_26 = tpu.memref_squeeze %dma_wait3A_25 : memref<1x79x128xi32, #tpu.memory_space<hbm>> -> memref<79x128xi32, #tpu.memory_space<hbm>>
      tpu.wait_dma2 semaphore(%run_scoped3A : memref<!tpu.dma_semaphore, #tpu.memory_space<semaphore_mem>>) src(%dma_wait3A_26 : memref<79x128xi32, #tpu.memory_space<hbm>>) dst(%arg9 : memref<79x128xi32, #tpu.memory_space<vmem>>)
      tpu.yield
    }) : () -> ()
    %barrier3A = arith.constant 0 : index
    tpu.barrier barrier_id(%barrier3A)
    %scan3A = arith.constant 0 : i32
    %scan3A_3 = arith.constant 0 : i32
    %scan3A_4 = arith.constant 79 : i32
    %scan3A_5 = arith.addi %scan3A_3, %scan3A_4 : i32
    %scan3A_6 = arith.constant 1 : i32
    scf.for %scan3A_13 = %scan3A_3 to %scan3A_5 step %scan3A_6  : i32 {
      %dma_start3A = arith.constant 0 : i32
      %dma_start3A_14 = tpu.memref_slice %arg8[%scan3A_13, %dma_start3A] : memref<79x128xi32, #tpu.memory_space<vmem>> -> memref<1x128xi32, #tpu.memory_space<vmem>>
      %dma_start3A_15 = tpu.memref_squeeze %dma_start3A_14 : memref<1x128xi32, #tpu.memory_space<vmem>> -> memref<128xi32, #tpu.memory_space<vmem>>
      %dma_start3A_16 = arith.constant 0 : i32
      %dma_start3A_17 = arith.constant 0 : i32
      %dma_start3A_18 = tpu.memref_slice %arg2[%dma_start3A_16, %dma_start3A_17] : memref<10000x128xf32, #tpu.memory_space<hbm>> -> memref<10000x128xf32, #tpu.memory_space<hbm>>
      tpu.enqueue_indirect_dma source(%dma_start3A_18 : memref<10000x128xf32, #tpu.memory_space<hbm>>) target(%arg10 : memref<128x128xf32, #tpu.memory_space<vmem>>) offsets(%dma_start3A_15 : memref<128xi32, #tpu.memory_space<vmem>>) semaphore(%arg11 : memref<!tpu.dma_semaphore, #tpu.memory_space<semaphore_mem>>)
      %dma_wait3A = arith.constant 0 : i32
      %dma_wait3A_19 = tpu.memref_slice %arg8[%scan3A_13, %dma_wait3A] : memref<79x128xi32, #tpu.memory_space<vmem>> -> memref<1x128xi32, #tpu.memory_space<vmem>>
      %dma_wait3A_20 = tpu.memref_squeeze %dma_wait3A_19 : memref<1x128xi32, #tpu.memory_space<vmem>> -> memref<128xi32, #tpu.memory_space<vmem>>
      %dma_wait3A_21 = arith.constant 0 : i32
      %dma_wait3A_22 = arith.constant 0 : i32
      %dma_wait3A_23 = tpu.memref_slice %arg2[%dma_wait3A_21, %dma_wait3A_22] : memref<10000x128xf32, #tpu.memory_space<hbm>> -> memref<10000x128xf32, #tpu.memory_space<hbm>>
      tpu.wait_indirect_dma semaphore(%arg11 : memref<!tpu.dma_semaphore, #tpu.memory_space<semaphore_mem>>) src(%dma_wait3A_23 : memref<10000x128xf32, #tpu.memory_space<hbm>>) dst(%arg10 : memref<128x128xf32, #tpu.memory_space<vmem>>)
      "tpu.region"() ({
        %run_scoped3A = tpu.sem_alloc : memref<!tpu.dma_semaphore, #tpu.memory_space<semaphore_mem>>
        %dma_start3A_24 = arith.constant 0 : i32
        %dma_start3A_25 = tpu.memref_slice %arg9[%scan3A_13, %dma_start3A_24] : memref<79x128xi32, #tpu.memory_space<vmem>> -> memref<1x128xi32, #tpu.memory_space<vmem>>
        %dma_start3A_26 = tpu.memref_squeeze %dma_start3A_25 : memref<1x128xi32, #tpu.memory_space<vmem>> -> memref<128xi32, #tpu.memory_space<vmem>>
        %dma_start3A_27 = arith.constant 0 : i32
        %dma_start3A_28 = arith.constant 0 : i32
        %dma_start3A_29 = tpu.memref_slice %arg7[%dma_start3A_27, %dma_start3A_28] : memref<10112x128xf32, #tpu.memory_space<vmem_shared>> -> memref<10112x128xf32, #tpu.memory_space<vmem_shared>>
        tpu.enqueue_indirect_dma source(%arg10 : memref<128x128xf32, #tpu.memory_space<vmem>>) target(%dma_start3A_29 : memref<10112x128xf32, #tpu.memory_space<vmem_shared>>) offsets(%dma_start3A_26 : memref<128xi32, #tpu.memory_space<vmem>>) semaphore(%run_scoped3A : memref<!tpu.dma_semaphore, #tpu.memory_space<semaphore_mem>>) {add = true}
        %dma_wait3A_30 = arith.constant 0 : i32
        %dma_wait3A_31 = tpu.memref_slice %arg9[%scan3A_13, %dma_wait3A_30] : memref<79x128xi32, #tpu.memory_space<vmem>> -> memref<1x128xi32, #tpu.memory_space<vmem>>
        %dma_wait3A_32 = tpu.memref_squeeze %dma_wait3A_31 : memref<1x128xi32, #tpu.memory_space<vmem>> -> memref<128xi32, #tpu.memory_space<vmem>>
        %dma_wait3A_33 = arith.constant 0 : i32
        %dma_wait3A_34 = arith.constant 0 : i32
        %dma_wait3A_35 = tpu.memref_slice %arg7[%dma_wait3A_33, %dma_wait3A_34] : memref<10112x128xf32, #tpu.memory_space<vmem_shared>> -> memref<10112x128xf32, #tpu.memory_space<vmem_shared>>
        tpu.wait_indirect_dma semaphore(%run_scoped3A : memref<!tpu.dma_semaphore, #tpu.memory_space<semaphore_mem>>) src(%arg10 : memref<128x128xf32, #tpu.memory_space<vmem>>) dst(%dma_wait3A_35 : memref<10112x128xf32, #tpu.memory_space<vmem_shared>>)
        tpu.yield
      }) : () -> ()
    }
    %scan3A_7 = arith.constant 79 : i32
    %barrier3A_8 = arith.constant 0 : index
    tpu.barrier barrier_id(%barrier3A_8)
    %mul3A_9 = arith.constant 632 : i32
    %mul3A_10 = arith.muli %arg1, %mul3A_9 : i32
    %mul3A_11 = arith.constant 632 : i32
    %mul3A_12 = arith.muli %arg1, %mul3A_11 : i32
    "tpu.region"() ({
      %run_scoped3A = tpu.sem_alloc : memref<!tpu.dma_semaphore, #tpu.memory_space<semaphore_mem>>
      %dma_start3A = arith.constant 0 : i32
      %dma_start3A_13 = tpu.memref_slice %arg6[%arg0, %mul3A_12, %dma_start3A] : memref<2x10112x128xf32, #tpu.memory_space<hbm>> -> memref<1x632x128xf32, #tpu.memory_space<hbm>>
      %dma_start3A_14 = tpu.memref_squeeze %dma_start3A_13 : memref<1x632x128xf32, #tpu.memory_space<hbm>> -> memref<632x128xf32, #tpu.memory_space<hbm>>
      %dma_start3A_15 = arith.constant 0 : i32
      %dma_start3A_16 = tpu.memref_slice %arg7[%mul3A_10, %dma_start3A_15] : memref<10112x128xf32, #tpu.memory_space<vmem_shared>> -> memref<632x128xf32, #tpu.memory_space<vmem_shared>>
      tpu.enqueue_dma source(%dma_start3A_16 : memref<632x128xf32, #tpu.memory_space<vmem_shared>>) target(%dma_start3A_14 : memref<632x128xf32, #tpu.memory_space<hbm>>) target_semaphore(%run_scoped3A : memref<!tpu.dma_semaphore, #tpu.memory_space<semaphore_mem>>)
      %dma_wait3A = arith.constant 0 : i32
      %dma_wait3A_17 = tpu.memref_slice %arg6[%arg0, %mul3A_12, %dma_wait3A] : memref<2x10112x128xf32, #tpu.memory_space<hbm>> -> memref<1x632x128xf32, #tpu.memory_space<hbm>>
      %dma_wait3A_18 = tpu.memref_squeeze %dma_wait3A_17 : memref<1x632x128xf32, #tpu.memory_space<hbm>> -> memref<632x128xf32, #tpu.memory_space<hbm>>
      %dma_wait3A_19 = arith.constant 0 : i32
      %dma_wait3A_20 = tpu.memref_slice %arg7[%mul3A_10, %dma_wait3A_19] : memref<10112x128xf32, #tpu.memory_space<vmem_shared>> -> memref<632x128xf32, #tpu.memory_space<vmem_shared>>
      tpu.wait_dma2 semaphore(%run_scoped3A : memref<!tpu.dma_semaphore, #tpu.memory_space<semaphore_mem>>) src(%dma_wait3A_20 : memref<632x128xf32, #tpu.memory_space<vmem_shared>>) dst(%dma_wait3A_18 : memref<632x128xf32, #tpu.memory_space<hbm>>)
      tpu.yield
    }) : () -> ()
    return
  }
}

module attributes {stable_mosaic.version = 14 : i64} {
  func.func @_mlp_pool_head_body(%arg0: i32, %arg1: memref<1000x128xf32, #tpu.memory_space<vmem>>, %arg2: memref<2x1000x128xf32, #tpu.memory_space<vmem>>, %arg3: memref<1x1x1000xi32, #tpu.memory_space<vmem>>, %arg4: memref<128x512xf32, #tpu.memory_space<vmem>>, %arg5: memref<1x512xf32, #tpu.memory_space<vmem>>, %arg6: memref<512x512xf32, #tpu.memory_space<vmem>>, %arg7: memref<1x512xf32, #tpu.memory_space<vmem>>, %arg8: memref<512x256xf32, #tpu.memory_space<vmem>>, %arg9: memref<1x256xf32, #tpu.memory_space<vmem>>, %arg10: memref<1x256xf32, #tpu.memory_space<vmem>>, %arg11: memref<1x256xf32, #tpu.memory_space<vmem>>, %arg12: memref<256x3xf32, #tpu.memory_space<vmem>>, %arg13: memref<1x3xf32, #tpu.memory_space<vmem>>, %arg14: memref<3x1xf32, #tpu.memory_space<vmem>>, %arg15: memref<1x1xf32, #tpu.memory_space<vmem>>, %arg16: memref<256x3xf32, #tpu.memory_space<vmem>>, %arg17: memref<256x1xf32, #tpu.memory_space<vmem>>, %arg18: memref<256x512xf32, #tpu.memory_space<vmem>>, %arg19: memref<256x1xf32, #tpu.memory_space<vmem>>) attributes {dimension_semantics = [#tpu.dimension_semantics<arbitrary>], iteration_bounds = array<i64: 10>, scalar_prefetch = 0 : i64, scratch_operands = 2 : i64, tpu.core_type = #tpu.core_type<tc>, window_params = [{transform_indices = @transform_0, window_bounds = array<i64: 1000, 128>}, {transform_indices = @transform_1, window_bounds = array<i64: 2, 1000, 128>}, {transform_indices = @transform_2, window_bounds = array<i64: 1, 1, 1000>}, {pipeline_mode = #tpu.pipeline_mode<synchronous>, transform_indices = @transform_3, window_bounds = array<i64: 128, 512>}, {pipeline_mode = #tpu.pipeline_mode<synchronous>, transform_indices = @transform_4, window_bounds = array<i64: 1, 512>}, {pipeline_mode = #tpu.pipeline_mode<synchronous>, transform_indices = @transform_5, window_bounds = array<i64: 512, 512>}, {pipeline_mode = #tpu.pipeline_mode<synchronous>, transform_indices = @transform_6, window_bounds = array<i64: 1, 512>}, {pipeline_mode = #tpu.pipeline_mode<synchronous>, transform_indices = @transform_7, window_bounds = array<i64: 512, 256>}, {pipeline_mode = #tpu.pipeline_mode<synchronous>, transform_indices = @transform_8, window_bounds = array<i64: 1, 256>}, {pipeline_mode = #tpu.pipeline_mode<synchronous>, transform_indices = @transform_9, window_bounds = array<i64: 1, 256>}, {pipeline_mode = #tpu.pipeline_mode<synchronous>, transform_indices = @transform_10, window_bounds = array<i64: 1, 256>}, {pipeline_mode = #tpu.pipeline_mode<synchronous>, transform_indices = @transform_11, window_bounds = array<i64: 256, 3>}, {pipeline_mode = #tpu.pipeline_mode<synchronous>, transform_indices = @transform_12, window_bounds = array<i64: 1, 3>}, {pipeline_mode = #tpu.pipeline_mode<synchronous>, transform_indices = @transform_13, window_bounds = array<i64: 3, 1>}, {pipeline_mode = #tpu.pipeline_mode<synchronous>, transform_indices = @transform_14, window_bounds = array<i64: 1, 1>}, {pipeline_mode = #tpu.pipeline_mode<synchronous>, transform_indices = @transform_15, window_bounds = array<i64: 256, 3>}, {pipeline_mode = #tpu.pipeline_mode<synchronous>, transform_indices = @transform_16, window_bounds = array<i64: 256, 1>}]} {
    %get3A = arith.constant 0 : index
    %get3A_0 = arith.constant 0 : index
    %get3A_1 = vector.load %arg1[%get3A, %get3A_0] : memref<1000x128xf32, #tpu.memory_space<vmem>>, vector<1000x128xf32>
    %get3A_2 = arith.constant 0 : index
    %get3A_3 = arith.constant 0 : index
    %get3A_4 = arith.constant 0 : index
    %get3A_5 = vector.load %arg2[%get3A_2, %get3A_3, %get3A_4] : memref<2x1000x128xf32, #tpu.memory_space<vmem>>, vector<1x1000x128xf32>
    %get3A_6 = vector.shape_cast %get3A_5 : vector<1x1000x128xf32> to vector<1000x128xf32>
    %add3A = arith.addf %get3A_1, %get3A_6 : vector<1000x128xf32>
    %get3A_7 = arith.constant 1 : index
    %get3A_8 = arith.constant 0 : index
    %get3A_9 = arith.constant 0 : index
    %get3A_10 = vector.load %arg2[%get3A_7, %get3A_8, %get3A_9] : memref<2x1000x128xf32, #tpu.memory_space<vmem>>, vector<1x1000x128xf32>
    %get3A_11 = vector.shape_cast %get3A_10 : vector<1x1000x128xf32> to vector<1000x128xf32>
    %add3A_12 = arith.addf %add3A, %get3A_11 : vector<1000x128xf32>
    %get3A_13 = arith.constant 0 : index
    %get3A_14 = arith.constant 0 : index
    %get3A_15 = vector.load %arg4[%get3A_13, %get3A_14] : memref<128x512xf32, #tpu.memory_space<vmem>>, vector<128x512xf32>
    %convert_element_type3A = arith.truncf %add3A_12 : vector<1000x128xf32> to vector<1000x128xbf16>
    %convert_element_type3A_16 = arith.truncf %get3A_15 : vector<128x512xf32> to vector<128x512xbf16>
    %dot_general3A = arith.constant dense<0.000000e+00> : vector<1000x512xf32>
    %dot_general3A_17 = tpu.matmul %convert_element_type3A, %convert_element_type3A_16, %dot_general3A {dimension_numbers = #tpu.dot_dimension_numbers<[1], [0], [0], [1], [0, 0, 1, 1], [], []>, transpose_lhs_hint = false} : vector<1000x128xbf16>, vector<128x512xbf16>, vector<1000x512xf32> -> vector<1000x512xf32>
    %get3A_18 = arith.constant 0 : index
    %get3A_19 = arith.constant 0 : index
    %get3A_20 = vector.load %arg5[%get3A_18, %get3A_19] : memref<1x512xf32, #tpu.memory_space<vmem>>, vector<1x512xf32>
    %add3A_21 = vector.broadcast %get3A_20 : vector<1x512xf32> to vector<1000x512xf32>
    %add3A_22 = arith.addf %dot_general3A_17, %add3A_21 : vector<1000x512xf32>
    %max3A = arith.constant 0.000000e+00 : f32
    %max3A_23 = vector.broadcast %max3A : f32 to vector<1000x512xf32>
    %max3A_24 = arith.maximumf %add3A_22, %max3A_23 : vector<1000x512xf32>
    %get3A_25 = arith.constant 0 : index
    %get3A_26 = arith.constant 0 : index
    %get3A_27 = vector.load %arg6[%get3A_25, %get3A_26] : memref<512x512xf32, #tpu.memory_space<vmem>>, vector<512x512xf32>
    %convert_element_type3A_28 = arith.truncf %max3A_24 : vector<1000x512xf32> to vector<1000x512xbf16>
    %convert_element_type3A_29 = arith.truncf %get3A_27 : vector<512x512xf32> to vector<512x512xbf16>
    %dot_general3A_30 = arith.constant dense<0.000000e+00> : vector<1000x512xf32>
    %dot_general3A_31 = tpu.matmul %convert_element_type3A_28, %convert_element_type3A_29, %dot_general3A_30 {dimension_numbers = #tpu.dot_dimension_numbers<[1], [0], [0], [1], [0, 0, 1, 1], [], []>, transpose_lhs_hint = false} : vector<1000x512xbf16>, vector<512x512xbf16>, vector<1000x512xf32> -> vector<1000x512xf32>
    %get3A_32 = arith.constant 0 : index
    %get3A_33 = arith.constant 0 : index
    %get3A_34 = vector.load %arg7[%get3A_32, %get3A_33] : memref<1x512xf32, #tpu.memory_space<vmem>>, vector<1x512xf32>
    %add3A_35 = vector.broadcast %get3A_34 : vector<1x512xf32> to vector<1000x512xf32>
    %add3A_36 = arith.addf %dot_general3A_31, %add3A_35 : vector<1000x512xf32>
    %get3A_37 = arith.constant 0 : index
    %get3A_38 = arith.constant 0 : index
    %get3A_39 = arith.constant 0 : index
    %get3A_40 = vector.load %arg3[%get3A_37, %get3A_38, %get3A_39] : memref<1x1x1000xi32, #tpu.memory_space<vmem>>, vector<1x1x1000xi32>
    %reshape3A = vector.shape_cast %get3A_40 : vector<1x1x1000xi32> to vector<1x1000xi32>
    %iota3A = tpu.iota {dimensions = array<i32: 0>} : vector<256x1000xi32>
    %eq3A = vector.broadcast %reshape3A : vector<1x1000xi32> to vector<256x1000xi32>
    %eq3A_41 = arith.cmpi eq, %iota3A, %eq3A : vector<256x1000xi32>
    %convert_element_type3A_42 = arith.extui %eq3A_41 : vector<256x1000xi1> to vector<256x1000xi32>
    %convert_element_type3A_43 = arith.sitofp %convert_element_type3A_42 : vector<256x1000xi32> to vector<256x1000xf32>
    %dot_general3A_44 = arith.constant dense<0.000000e+00> : vector<256x512xf32>
    %dot_general3A_45 = tpu.matmul %convert_element_type3A_43, %add3A_36, %dot_general3A_44 {dimension_numbers = #tpu.dot_dimension_numbers<[1], [0], [0], [1], [0, 0, 1, 1], [], []>, precision = #tpu.contract_precision<fp32>, transpose_lhs_hint = false} : vector<256x1000xf32>, vector<1000x512xf32>, vector<256x512xf32> -> vector<256x512xf32>
    %reduce_sum3A = arith.constant dense<0.000000e+00> : vector<256xf32>
    %reduce_sum3A_46 = vector.multi_reduction <add>, %convert_element_type3A_43, %reduce_sum3A [1] : vector<256x1000xf32> to vector<256xf32>
    %broadcast_in_dim3A = vector.shape_cast %reduce_sum3A_46 : vector<256xf32> to vector<256x1xf32>
    %eq3A_47 = arith.constant 0 : i32
    %eq3A_48 = arith.cmpi eq, %arg0, %eq3A_47 : i32
    %convert_element_type3A_49 = arith.extui %eq3A_48 : i1 to i32
    %cond3A = arith.constant 0 : i32
    %cond3A_50 = arith.cmpi ne, %convert_element_type3A_49, %cond3A : i32
    scf.if %cond3A_50 {
      %swap3A = arith.constant 0 : index
      %swap3A_60 = arith.constant 0 : index
      %swap3A_61 = vector.load %arg18[%swap3A, %swap3A_60] : memref<256x512xf32, #tpu.memory_space<vmem>>, vector<256x512xf32>
      tpu.vector_store %arg18[%swap3A, %swap3A_60], %dot_general3A_45 {strides = array<i32>} : memref<256x512xf32, #tpu.memory_space<vmem>>, vector<256x512xf32>,
      %swap3A_62 = arith.constant 0 : index
      %swap3A_63 = arith.constant 0 : index
      %swap3A_64 = vector.load %arg19[%swap3A_62, %swap3A_63] : memref<256x1xf32, #tpu.memory_space<vmem>>, vector<256x1xf32>
      tpu.vector_store %arg19[%swap3A_62, %swap3A_63], %broadcast_in_dim3A {strides = array<i32>} : memref<256x1xf32, #tpu.memory_space<vmem>>, vector<256x1xf32>,
    } else {
    }
    %gt3A = arith.constant 0 : i32
    %gt3A_51 = arith.cmpi sgt, %arg0, %gt3A : i32
    %convert_element_type3A_52 = arith.extui %gt3A_51 : i1 to i32
    %cond3A_53 = arith.constant 0 : i32
    %cond3A_54 = arith.cmpi ne, %convert_element_type3A_52, %cond3A_53 : i32
    scf.if %cond3A_54 {
      %get3A_60 = arith.constant 0 : index
      %get3A_61 = arith.constant 0 : index
      %get3A_62 = vector.load %arg18[%get3A_60, %get3A_61] : memref<256x512xf32, #tpu.memory_space<vmem>>, vector<256x512xf32>
      %add3A_63 = arith.addf %get3A_62, %dot_general3A_45 : vector<256x512xf32>
      %swap3A = arith.constant 0 : index
      %swap3A_64 = arith.constant 0 : index
      %swap3A_65 = vector.load %arg18[%swap3A, %swap3A_64] : memref<256x512xf32, #tpu.memory_space<vmem>>, vector<256x512xf32>
      tpu.vector_store %arg18[%swap3A, %swap3A_64], %add3A_63 {strides = array<i32>} : memref<256x512xf32, #tpu.memory_space<vmem>>, vector<256x512xf32>,
      %get3A_66 = arith.constant 0 : index
      %get3A_67 = arith.constant 0 : index
      %get3A_68 = vector.load %arg19[%get3A_66, %get3A_67] : memref<256x1xf32, #tpu.memory_space<vmem>>, vector<256x1xf32>
      %add3A_69 = arith.addf %get3A_68, %broadcast_in_dim3A : vector<256x1xf32>
      %swap3A_70 = arith.constant 0 : index
      %swap3A_71 = arith.constant 0 : index
      %swap3A_72 = vector.load %arg19[%swap3A_70, %swap3A_71] : memref<256x1xf32, #tpu.memory_space<vmem>>, vector<256x1xf32>
      tpu.vector_store %arg19[%swap3A_70, %swap3A_71], %add3A_69 {strides = array<i32>} : memref<256x1xf32, #tpu.memory_space<vmem>>, vector<256x1xf32>,
    } else {
    }
    %eq3A_55 = arith.constant 9 : i32
    %eq3A_56 = arith.cmpi eq, %arg0, %eq3A_55 : i32
    %convert_element_type3A_57 = arith.extui %eq3A_56 : i1 to i32
    %cond3A_58 = arith.constant 0 : i32
    %cond3A_59 = arith.cmpi ne, %convert_element_type3A_57, %cond3A_58 : i32
    scf.if %cond3A_59 {
      %get3A_60 = arith.constant 0 : index
      %get3A_61 = arith.constant 0 : index
      %get3A_62 = vector.load %arg18[%get3A_60, %get3A_61] : memref<256x512xf32, #tpu.memory_space<vmem>>, vector<256x512xf32>
      %get3A_63 = arith.constant 0 : index
      %get3A_64 = arith.constant 0 : index
      %get3A_65 = vector.load %arg19[%get3A_63, %get3A_64] : memref<256x1xf32, #tpu.memory_space<vmem>>, vector<256x1xf32>
      %max3A_66 = arith.constant 1.000000e+00 : f32
      %max3A_67 = vector.broadcast %max3A_66 : f32 to vector<256x1xf32>
      %max3A_68 = arith.maximumf %get3A_65, %max3A_67 : vector<256x1xf32>
      %div3A = vector.broadcast %max3A_68 : vector<256x1xf32> to vector<256x512xf32>
      %div3A_69 = arith.divf %get3A_62, %div3A : vector<256x512xf32>
      %get3A_70 = arith.constant 0 : index
      %get3A_71 = arith.constant 0 : index
      %get3A_72 = vector.load %arg8[%get3A_70, %get3A_71] : memref<512x256xf32, #tpu.memory_space<vmem>>, vector<512x256xf32>
      %convert_element_type3A_73 = arith.truncf %div3A_69 : vector<256x512xf32> to vector<256x512xbf16>
      %convert_element_type3A_74 = arith.truncf %get3A_72 : vector<512x256xf32> to vector<512x256xbf16>
      %dot_general3A_75 = arith.constant dense<0.000000e+00> : vector<256x256xf32>
      %dot_general3A_76 = tpu.matmul %convert_element_type3A_73, %convert_element_type3A_74, %dot_general3A_75 {dimension_numbers = #tpu.dot_dimension_numbers<[1], [0], [0], [1], [0, 0, 1, 1], [], []>, transpose_lhs_hint = false} : vector<256x512xbf16>, vector<512x256xbf16>, vector<256x256xf32> -> vector<256x256xf32>
      %get3A_77 = arith.constant 0 : index
      %get3A_78 = arith.constant 0 : index
      %get3A_79 = vector.load %arg9[%get3A_77, %get3A_78] : memref<1x256xf32, #tpu.memory_space<vmem>>, vector<1x256xf32>
      %add3A_80 = vector.broadcast %get3A_79 : vector<1x256xf32> to vector<256x256xf32>
      %add3A_81 = arith.addf %dot_general3A_76, %add3A_80 : vector<256x256xf32>
      %reduce_sum3A_82 = arith.constant dense<0.000000e+00> : vector<256xf32>
      %reduce_sum3A_83 = vector.multi_reduction <add>, %add3A_81, %reduce_sum3A_82 [0] : vector<256x256xf32> to vector<256xf32>
      %broadcast_in_dim3A_84 = vector.shape_cast %reduce_sum3A_83 : vector<256xf32> to vector<1x256xf32>
      %div3A_85 = arith.constant 2.560000e+02 : f32
      %div3A_86 = vector.broadcast %div3A_85 : f32 to vector<1x256xf32>
      %div3A_87 = arith.divf %broadcast_in_dim3A_84, %div3A_86 : vector<1x256xf32>
      %sub3A = vector.broadcast %div3A_87 : vector<1x256xf32> to vector<256x256xf32>
      %sub3A_88 = arith.subf %add3A_81, %sub3A : vector<256x256xf32>
      %integer_pow3A = arith.mulf %sub3A_88, %sub3A_88 : vector<256x256xf32>
      %reduce_sum3A_89 = arith.constant dense<0.000000e+00> : vector<256xf32>
      %reduce_sum3A_90 = vector.multi_reduction <add>, %integer_pow3A, %reduce_sum3A_89 [0] : vector<256x256xf32> to vector<256xf32>
      %broadcast_in_dim3A_91 = vector.shape_cast %reduce_sum3A_90 : vector<256xf32> to vector<1x256xf32>
      %div3A_92 = arith.constant 2.560000e+02 : f32
      %div3A_93 = vector.broadcast %div3A_92 : f32 to vector<1x256xf32>
      %div3A_94 = arith.divf %broadcast_in_dim3A_91, %div3A_93 : vector<1x256xf32>
      %get3A_95 = arith.constant 0 : index
      %get3A_96 = arith.constant 0 : index
      %get3A_97 = vector.load %arg10[%get3A_95, %get3A_96] : memref<1x256xf32, #tpu.memory_space<vmem>>, vector<1x256xf32>
      %sub3A_98 = vector.broadcast %div3A_87 : vector<1x256xf32> to vector<256x256xf32>
      %sub3A_99 = arith.subf %add3A_81, %sub3A_98 : vector<256x256xf32>
      %mul3A = vector.broadcast %get3A_97 : vector<1x256xf32> to vector<256x256xf32>
      %mul3A_100 = arith.mulf %mul3A, %sub3A_99 : vector<256x256xf32>
      %add3A_101 = arith.constant 9.99999974E-6 : f32
      %add3A_102 = vector.broadcast %add3A_101 : f32 to vector<1x256xf32>
      %add3A_103 = arith.addf %div3A_94, %add3A_102 : vector<1x256xf32>
      %sqrt3A = math.sqrt %add3A_103 : vector<1x256xf32>
      %div3A_104 = vector.broadcast %sqrt3A : vector<1x256xf32> to vector<256x256xf32>
      %div3A_105 = arith.divf %mul3A_100, %div3A_104 : vector<256x256xf32>
      %get3A_106 = arith.constant 0 : index
      %get3A_107 = arith.constant 0 : index
      %get3A_108 = vector.load %arg11[%get3A_106, %get3A_107] : memref<1x256xf32, #tpu.memory_space<vmem>>, vector<1x256xf32>
      %add3A_109 = vector.broadcast %get3A_108 : vector<1x256xf32> to vector<256x256xf32>
      %add3A_110 = arith.addf %div3A_105, %add3A_109 : vector<256x256xf32>
      %max3A_111 = arith.constant 0.000000e+00 : f32
      %max3A_112 = vector.broadcast %max3A_111 : f32 to vector<256x256xf32>
      %max3A_113 = arith.maximumf %add3A_110, %max3A_112 : vector<256x256xf32>
      %get3A_114 = arith.constant 0 : index
      %get3A_115 = arith.constant 0 : index
      %get3A_116 = vector.load %arg12[%get3A_114, %get3A_115] : memref<256x3xf32, #tpu.memory_space<vmem>>, vector<256x3xf32>
      %convert_element_type3A_117 = arith.truncf %max3A_113 : vector<256x256xf32> to vector<256x256xbf16>
      %convert_element_type3A_118 = arith.truncf %get3A_116 : vector<256x3xf32> to vector<256x3xbf16>
      %dot_general3A_119 = arith.constant dense<0.000000e+00> : vector<256x3xf32>
      %dot_general3A_120 = tpu.matmul %convert_element_type3A_117, %convert_element_type3A_118, %dot_general3A_119 {dimension_numbers = #tpu.dot_dimension_numbers<[1], [0], [0], [1], [0, 0, 1, 1], [], []>, transpose_lhs_hint = false} : vector<256x256xbf16>, vector<256x3xbf16>, vector<256x3xf32> -> vector<256x3xf32>
      %get3A_121 = arith.constant 0 : index
      %get3A_122 = arith.constant 0 : index
      %get3A_123 = vector.load %arg13[%get3A_121, %get3A_122] : memref<1x3xf32, #tpu.memory_space<vmem>>, vector<1x3xf32>
      %add3A_124 = vector.broadcast %get3A_123 : vector<1x3xf32> to vector<256x3xf32>
      %add3A_125 = arith.addf %dot_general3A_120, %add3A_124 : vector<256x3xf32>
      %get3A_126 = arith.constant 0 : index
      %get3A_127 = arith.constant 0 : index
      %get3A_128 = vector.load %arg16[%get3A_126, %get3A_127] : memref<256x3xf32, #tpu.memory_space<vmem>>, vector<256x3xf32>
      %mul3A_129 = arith.mulf %get3A_128, %add3A_125 : vector<256x3xf32>
      %get3A_130 = arith.constant 0 : index
      %get3A_131 = arith.constant 0 : index
      %get3A_132 = vector.load %arg14[%get3A_130, %get3A_131] : memref<3x1xf32, #tpu.memory_space<vmem>>, vector<3x1xf32>
      %convert_element_type3A_133 = arith.truncf %mul3A_129 : vector<256x3xf32> to vector<256x3xbf16>
      %convert_element_type3A_134 = arith.truncf %get3A_132 : vector<3x1xf32> to vector<3x1xbf16>
      %dot_general3A_135 = arith.constant dense<0.000000e+00> : vector<256x1xf32>
      %dot_general3A_136 = tpu.matmul %convert_element_type3A_133, %convert_element_type3A_134, %dot_general3A_135 {dimension_numbers = #tpu.dot_dimension_numbers<[1], [0], [0], [1], [0, 0, 1, 1], [], []>, transpose_lhs_hint = false} : vector<256x3xbf16>, vector<3x1xbf16>, vector<256x1xf32> -> vector<256x1xf32>
      %get3A_137 = arith.constant 0 : index
      %get3A_138 = arith.constant 0 : index
      %get3A_139 = vector.load %arg15[%get3A_137, %get3A_138] : memref<1x1xf32, #tpu.memory_space<vmem>>, vector<1x1xf32>
      %add3A_140 = vector.broadcast %get3A_139 : vector<1x1xf32> to vector<256x1xf32>
      %add3A_141 = arith.addf %dot_general3A_136, %add3A_140 : vector<256x1xf32>
      %swap3A = arith.constant 0 : index
      %swap3A_142 = arith.constant 0 : index
      %swap3A_143 = vector.load %arg17[%swap3A, %swap3A_142] : memref<256x1xf32, #tpu.memory_space<vmem>>, vector<256x1xf32>
      tpu.vector_store %arg17[%swap3A, %swap3A_142], %add3A_141 {strides = array<i32>} : memref<256x1xf32, #tpu.memory_space<vmem>>, vector<256x1xf32>,
    } else {
    }
    return
  }
  func.func @transform_0(%arg0: i32) -> (i32, i32) {
    %c0_i32 = arith.constant 0 : i32
    %c0_i32_0 = arith.constant 0 : i32
    return %arg0, %c0_i32 : i32, i32
  }
  func.func @transform_1(%arg0: i32) -> (i32, i32, i32) {
    %c0_i32 = arith.constant 0 : i32
    %c0_i32_0 = arith.constant 0 : i32
    %c0_i32_1 = arith.constant 0 : i32
    return %c0_i32, %arg0, %c0_i32_0 : i32, i32, i32
  }
  func.func @transform_2(%arg0: i32) -> (i32, i32, i32) {
    %c0_i32 = arith.constant 0 : i32
    %c0_i32_0 = arith.constant 0 : i32
    %c0_i32_1 = arith.constant 0 : i32
    return %arg0, %c0_i32, %c0_i32_0 : i32, i32, i32
  }
  func.func @transform_3(%arg0: i32) -> (i32, i32) {
    %c0_i32 = arith.constant 0 : i32
    %c0_i32_0 = arith.constant 0 : i32
    %c0_i32_1 = arith.constant 0 : i32
    return %c0_i32, %c0_i32_0 : i32, i32
  }
  func.func @transform_4(%arg0: i32) -> (i32, i32) {
    %c0_i32 = arith.constant 0 : i32
    %c0_i32_0 = arith.constant 0 : i32
    %c0_i32_1 = arith.constant 0 : i32
    return %c0_i32, %c0_i32_0 : i32, i32
  }
  func.func @transform_5(%arg0: i32) -> (i32, i32) {
    %c0_i32 = arith.constant 0 : i32
    %c0_i32_0 = arith.constant 0 : i32
    %c0_i32_1 = arith.constant 0 : i32
    return %c0_i32, %c0_i32_0 : i32, i32
  }
  func.func @transform_6(%arg0: i32) -> (i32, i32) {
    %c0_i32 = arith.constant 0 : i32
    %c0_i32_0 = arith.constant 0 : i32
    %c0_i32_1 = arith.constant 0 : i32
    return %c0_i32, %c0_i32_0 : i32, i32
  }
  func.func @transform_7(%arg0: i32) -> (i32, i32) {
    %c0_i32 = arith.constant 0 : i32
    %c0_i32_0 = arith.constant 0 : i32
    %c0_i32_1 = arith.constant 0 : i32
    return %c0_i32, %c0_i32_0 : i32, i32
  }
  func.func @transform_8(%arg0: i32) -> (i32, i32) {
    %c0_i32 = arith.constant 0 : i32
    %c0_i32_0 = arith.constant 0 : i32
    %c0_i32_1 = arith.constant 0 : i32
    return %c0_i32, %c0_i32_0 : i32, i32
  }
  func.func @transform_9(%arg0: i32) -> (i32, i32) {
    %c0_i32 = arith.constant 0 : i32
    %c0_i32_0 = arith.constant 0 : i32
    %c0_i32_1 = arith.constant 0 : i32
    return %c0_i32, %c0_i32_0 : i32, i32
  }
  func.func @transform_10(%arg0: i32) -> (i32, i32) {
    %c0_i32 = arith.constant 0 : i32
    %c0_i32_0 = arith.constant 0 : i32
    %c0_i32_1 = arith.constant 0 : i32
    return %c0_i32, %c0_i32_0 : i32, i32
  }
  func.func @transform_11(%arg0: i32) -> (i32, i32) {
    %c0_i32 = arith.constant 0 : i32
    %c0_i32_0 = arith.constant 0 : i32
    %c0_i32_1 = arith.constant 0 : i32
    return %c0_i32, %c0_i32_0 : i32, i32
  }
  func.func @transform_12(%arg0: i32) -> (i32, i32) {
    %c0_i32 = arith.constant 0 : i32
    %c0_i32_0 = arith.constant 0 : i32
    %c0_i32_1 = arith.constant 0 : i32
    return %c0_i32, %c0_i32_0 : i32, i32
  }
  func.func @transform_13(%arg0: i32) -> (i32, i32) {
    %c0_i32 = arith.constant 0 : i32
    %c0_i32_0 = arith.constant 0 : i32
    %c0_i32_1 = arith.constant 0 : i32
    return %c0_i32, %c0_i32_0 : i32, i32
  }
  func.func @transform_14(%arg0: i32) -> (i32, i32) {
    %c0_i32 = arith.constant 0 : i32
    %c0_i32_0 = arith.constant 0 : i32
    %c0_i32_1 = arith.constant 0 : i32
    return %c0_i32, %c0_i32_0 : i32, i32
  }
  func.func @transform_15(%arg0: i32) -> (i32, i32) {
    %c0_i32 = arith.constant 0 : i32
    %c0_i32_0 = arith.constant 0 : i32
    %c0_i32_1 = arith.constant 0 : i32
    return %c0_i32, %c0_i32_0 : i32, i32
  }
  func.func @transform_16(%arg0: i32) -> (i32, i32) {
    %c0_i32 = arith.constant 0 : i32
    %c0_i32_0 = arith.constant 0 : i32
    %c0_i32_1 = arith.constant 0 : i32
    return %c0_i32, %c0_i32_0 : i32, i32
  }
}

</mosaic_0001>

<sc_bundles>
// kernel: kernel.4.cloned.1.call-start
scs
__scs_entry_jumppad:
0x0: {  	(pc) =	sbr.rel $0x88, $3  }
0x1: {  	(tag) =	ssettag $0x0;
	lr =	simm.s32 $0x1  }
0x2: {  	[smem:$0x3F91] =	sst lr;
	_ =	strace $0xD0000000  }
0x3: {  	_ = 	snop  }
0x4: {  	_ = 	snop  }
0x5: {  	_ = 	snop  }
0x6: {  	_ = 	snop  }
0x7: {  	_ = 	snop  }
__scs_overlays_trampoline_lowered:
0x8: {  	[smem:$0x3FA0] =	sst s0  }
0x9: {  	[smem:$0x3FA1] =	sst s1  }
0xa: {  	[smem:$0x3FA2] =	sst s2  }
0xb: {  	[smem:$0x3FA3] =	sst s3  }
0xc: {  	[smem:$0x3FA4] =	sst s4  }
0xd: {  	[smem:$0x3FA5] =	sst s5  }
0xe: {  	[smem:$0x3FA6] =	sst s6  }
0xf: {  	[smem:$0x3FA7] =	sst s7  }
0x10: {  	[smem:$0x3FA8] =	sst s8  }
0x11: {  	[smem:$0x3FA9] =	sst s9;
	s0 =	simm.s32 @!p0 $0x0  }
0x12: {  	s1 =	sld [smem:$0x3F8F];
	s0 =	simm.s32 @p0 $0x1  }
0x13: {  	[smem:$0x3FAA] =	sst s0;
	s0 =	simm.s32 @!p1 $0x0  }
0x14: {  	s2 =	sld [smem:$0x3F8E];
	s0 =	simm.s32 @p1 $0x1  }
0x15: {  	[smem:$0x3FAB] =	sst s0;
	s0 =	simm.s32 @!p2 $0x0  }
0x16: {  	s3 =	sld [smem:$0x3FDB];
	s0 =	simm.s32 @p2 $0x1  }
0x17: {  	s4 =	simm.s32 $0x1BF5;
	[smem:$0x3FAD] =	sst s0  }
0x18: {  	s0 =	sld [smem:$0x3F90];
	_ =	swait.ge [sflag:s4], $0x0  }
0x19: {  	s7 =	sld [smem:$0x3F91]  }
0x1a: {  	s8 =	sadd.s32 $0xFFFFE003, lr  }
0x1b: {  	s9 =	sadd.s32 $0xFFFFFEF7, lr;
	s5 =	simm.s32 $0xFFFFFFFF;
	p2 =	slt.u32 s8, $0xFFFFF086  }
0x1c: {  	p1 =	slt.u32 s9, $0xF7A;
	s5 =	simm.s32 @!p2 $0x0  }
0x1d: {  	s5 =	simm.s32 @p1 $0x1;
	p0 =	seq.s32 s7, s2  }
0x1e: {  	s7 =	smul.u32 @!p0 $0xF7A, s2;
	p2 =	seq.s32 @!p0 s5, $0x0  }
0x1f: {  	s9 =	smul.u32 $0xF7A, s1;
	s8 =	simm.s32 @!p0 $0x1BF5;
	p2 =	por !p2, p0  }
0x20: {  	[sflag:s8] =	ssyncset.s32 @!p0 $0xFFFFF086;
	s6 =	sadd.s32 @!p0 s3, s7;
	s7 =	simm.s32 @!p0 $0x108  }
0x21: {  	s3 =	sadd.s32 s3, s9;
	s6 =	sadd.s32 @!p0 $0x88, s6;
	s7 =	simm.s32 @p2 $0x1082  }
0x22: {  	[simem:s7], [sflag:s8] =	dma.local @!p0 [hbm:s6], $0xF7A  }
0x23: {  	s9 =	sor.u32 $0xD0000000, s2;
	s6 =	simm.s32 $0x108;
	_ =	swait.ge @!p0 [sflag:s8], $0x0  }
0x24: {  	s3 =	sadd.s32 $0x88, s3;
	s6 =	simm.s32 @!p1 $0x1082;
	[sflag:s4] =	ssyncset.s32 $0xFFFFF086  }
0x25: {  	[simem:s6], [sflag:s4] =	dma.local [hbm:s3], $0xF7A  }
0x26: {  	[smem:$0x3F91] =	sst s1;
	(tag) =	ssettag s2;
	_ =	strace s9  }
0x27: {  	s1 =	sld [smem:$0x3FA1]  }
0x28: {  	s2 =	sld [smem:$0x3FA2]  }
0x29: {  	s4 =	sld [smem:$0x3FA4]  }
0x2a: {  	p0 =	seq.s32 s5, $0x0;
	s5 =	sld [smem:$0x3FA5]  }
0x2b: {  	s6 =	sld [smem:$0x3FA6]  }
0x2c: {  	s7 =	sld [smem:$0x3FA7]  }
0x2d: {  	s3 =	simm.s32 $0x108;
	s8 =	sld [smem:$0x3FA8]  }
0x2e: {  	s3 =	simm.s32 @!p0 $0x1082;
	s9 =	sld [smem:$0x3FA9]  }
0x2f: {  	lr =	sadd.s32 s0, s3;
	s0 =	sld [smem:$0x3FA0]  }
0x30: {  	s3 =	sld [smem:$0x3FA3]  }
0x31: {  	[smem:$0x3FAC] =	sst s10  }
0x32: {  	s10 =	sld [smem:$0x3FAA];
	_ =	sdelay $0x3  }
0x33: {  	p0 =	seq.s32 s10, $0x1;
	s10 =	sld [smem:$0x3FAC];
	_ =	sdelay $0x3  }
0x34: {  	[smem:$0x3FAC] =	sst s10  }
0x35: {  	s10 =	sld [smem:$0x3FAB];
	_ =	sdelay $0x3  }
0x36: {  	p1 =	seq.s32 s10, $0x1;
	s10 =	sld [smem:$0x3FAC];
	_ =	sdelay $0x3  }
0x37: {  	[smem:$0x3FAC] =	sst s10  }
0x38: {  	s10 =	sld [smem:$0x3FAD]  }
0x39: {  	_ = 	snop;
	(pc) =	sbr.ind lr, $3  }
0x3a: {  	_ = 	snop  }
0x3b: {  	_ = 	snop  }
0x3c: {  	p2 =	seq.s32 s10, $0x1;
	s10 =	sld [smem:$0x3FAC]  }
0x3d: {  	_ =	shalt  }
0x3e: {  	_ =	shalt  }
0x3f: {  	_ =	shalt  }
0x40: {  	_ =	shalt  }
0x41: {  	_ =	shalt  }
0x42: {  	_ =	shalt  }
0x43: {  	_ =	shalt  }
0x44: {  	_ =	shalt  }
0x45: {  	_ =	shalt  }
0x46: {  	_ =	shalt  }
0x47: {  	_ =	shalt  }
0x48: {  	_ =	shalt  }
0x49: {  	_ =	shalt  }
0x4a: {  	_ =	shalt  }
0x4b: {  	_ =	shalt  }
0x4c: {  	_ =	shalt  }
0x4d: {  	_ =	shalt  }
0x4e: {  	_ =	shalt  }
0x4f: {  	_ =	shalt  }
0x50: {  	_ =	shalt  }
0x51: {  	_ =	shalt  }
0x52: {  	_ =	shalt  }
0x53: {  	_ =	shalt  }
0x54: {  	_ =	shalt  }
0x55: {  	_ =	shalt  }
0x56: {  	_ =	shalt  }
0x57: {  	_ =	shalt  }
0x58: {  	_ =	shalt  }
0x59: {  	_ =	shalt  }
0x5a: {  	_ =	shalt  }
0x5b: {  	_ =	shalt  }
0x5c: {  	_ =	shalt  }
0x5d: {  	_ =	shalt  }
0x5e: {  	_ =	shalt  }
0x5f: {  	_ =	shalt  }
0x60: {  	_ =	shalt  }
0x61: {  	_ =	shalt  }
0x62: {  	_ =	shalt  }
0x63: {  	_ =	shalt  }
0x64: {  	_ =	shalt  }
0x65: {  	_ =	shalt  }
0x66: {  	_ =	shalt  }
0x67: {  	_ =	shalt  }
0x68: {  	_ =	shalt  }
0x69: {  	_ =	shalt  }
0x6a: {  	_ =	shalt  }
0x6b: {  	_ =	shalt  }
0x6c: {  	_ =	shalt  }
0x6d: {  	_ =	shalt  }
0x6e: {  	_ =	shalt  }
0x6f: {  	_ =	shalt  }
0x70: {  	_ =	shalt  }
0x71: {  	_ =	shalt  }
0x72: {  	_ =	shalt  }
0x73: {  	_ =	shalt  }
0x74: {  	_ =	shalt  }
0x75: {  	_ =	shalt  }
0x76: {  	_ =	shalt  }
0x77: {  	_ =	shalt  }
0x78: {  	_ =	shalt  }
0x79: {  	_ =	shalt  }
0x7a: {  	_ =	shalt  }
0x7b: {  	_ =	shalt  }
0x7c: {  	_ =	shalt  }
0x7d: {  	_ =	shalt  }
0x7e: {  	_ =	shalt  }
0x7f: {  	_ =	shalt  }
0x80: {  	_ =	shalt  }
0x81: {  	_ =	shalt  }
0x82: {  	_ =	shalt  }
0x83: {  	_ =	shalt  }
0x84: {  	_ =	shalt  }
0x85: {  	_ =	shalt  }
0x86: {  	_ =	shalt  }
0x87: {  	_ =	shalt  }
.Lfunc_end0:
.L_simem_size_0:
called_computation_lowered:
.L_overlay_start_0:
0x88: {  	s2 =	sld [smem:$0x3FD9]  }
0x89: {  	s3 =	sld [smem:$0x3FFE];
	_ =	sdelay $0x1  }
0x8a: {  	s1 =	srdreg.scid  }
0x8b: {  	s0 =	sand.u32 $0x1, s1  }
0x8c: {  	s17 =	sshll.u32 s0, $0xA;
	s2 =	sadd.s32 s3, s2  }
0x8d: {  	s2 =	sadd.s32 s2, s17  }
0x8e: {  	[smem:$0x3FB8] =	sst s2  }
0x8f: {  	_ = 	snop  }
0x90: {  	s2 =	sld [smem:$0x3FC9];
	(tm) =	ssettm $0x1  }
0x91: {  	s18 =	sld [smem:$0x3FFB];
	_ =	sdelay $0x3  }
0x92: {  	_ =	strace s18  }
0x93: {  	s3 =	sld [smem:$0x3FFC];
	_ =	sdelay $0x3  }
0x94: {  	_ =	strace s3  }
0x95: {  	s3 =	sld [smem:$0x3FFD];
	_ =	sdelay $0x3  }
0x96: {  	_ =	strace s3  }
0x97: {  	_ =	strace $0x8FFFFFFF  }
0x98: {  	s19 =	sld [smem:$0x3FDB];
	_ =	sdelay $0x1  }
0x99: {  	s4 =	simm.s32 $_scs_section_size  }
0x9a: {  	s5 =	simm.s32 $_size__tile_overlayer_lowered;
	s6 =	simm.s32 $_tile_overlayer_lowered  }
0x9b: {  	s22 =	simm.s32 $0x1BFF;
	s21 =	sshll.u32 s6, $0x1;
	s3 =	sadd.s32 s4, s19  }
0x9c: {  	s7 =	simm.s32 $0x0;
	s20 =	sshll.u32 s5, $0x1;
	s5 =	sadd.s32 s21, s3  }
0x9d: {  	[timem:s7], [sflag:s22] =	dma.local [hbm:s5], s20  }
0x9e: {  	_ =	swait.ge [sflag:s22], s20  }
0x9f: {  	s4 =	ssub.s32 $0x0, s20;
	[sflag:s22] =	ssyncset.done $0x0  }
0xa0: {  	[sflag:s22] =	ssyncadd.s32 s4;
	_ =	sdelay $0x1  }
0xa1: {  	s23 =	simm.s32 $0x1B8B  }
0xa2: {  	_ =	swait.ge [sflag:s23], $0x1  }
0xa3: {  	[sflag:s23] =	ssyncset.done $0x0  }
0xa4: {  	s25 =	simm.s32 $0x1B8E;
	s24 =	sld [smem:$0x3FFE];
	[sflag:s23] =	ssyncadd.s32 $0xFFFFFFFF  }
0xa5: {  	s26 =	simm.s32 $execute0_lowered;
	[smem:$0x3FD2] =	sst s25  }
0xa6: {  	s5 =	sshll.u32 s26, $0x1;
	_ =	strace $0x80000046;
	[dreg:$0x1] =	wrdreg $0xFFFFFFFF  }
0xa7: {  	s28 =	simm.s32 $_size_execute0_lowered;
	s3 =	sadd.s32 s3, s5;
	[dreg:$0x0] =	wrdreg $0x0  }
0xa8: {  	s5 =	sshll.u32 s28, $0x1;
	[dreg:$0x2] =	wrdreg s3  }
0xa9: {  	[dreg:$0x3] =	wrdreg s5  }
0xaa: {  	[dreg:$0x4] =	wrdreg $0xC0  }
0xab: {  	_ =	task [dreg:s7], $0x5FFFF  }
0xac: {  	[dreg:$0x1] =	wrdreg $0xFFFFFFFF  }
0xad: {  	[dreg:$0x0] =	wrdreg $0x60  }
0xae: {  	[dreg:$0x2] =	wrdreg s2  }
0xaf: {  	[dreg:$0x3] =	wrdreg s24  }
0xb0: {  	[dreg:$0x4] =	wrdreg $0x0  }
0xb1: {  	[dreg:$0x5] =	wrdreg $0x9  }
0xb2: {  	_ =	task.clear_ibuf [dreg:s7], $0x6FFFF;
	_ =	strace $0x90000046  }
0xb3: {  	s29 =	simm.s32 $0x9;
	_ =	strace $0x80000048  }
0xb4: {  	_ =	swait.ge [sflag:s29], $0x1  }
0xb5: {  	[sflag:s29] =	ssyncadd.s32 $0xFFFFFFFF  }
0xb6: {  	_ =	strace $0x90000048  }
0xb7: {  	_ =	sfence  }
0xb8: {  	s30 =	sld [smem:$0x0];
	_ =	sdelay $0x2  }
0xb9: {  	s31 =	sshll.u32 s1, $0xD;
	s1 =	sshrl.u32 s1, $0x2  }
0xba: {  	s3 =	sand.u32 $0x4000, s31;
	s1 =	sadd.s32 s1, s30  }
0xbb: {  	s0 =	sor.u32 s3, s0;
	s1 =	sshll.u32 s1, $0x11  }
0xbc: {  	s0 =	sor.u32 s1, s0  }
0xbd: {  	s0 =	sadd.s32 $0x8F2B, s0  }
0xbe: {  	[sflag:s0] =	ssyncadd.remote.s32 $0x1  }
0xbf: {  	_ =	sfence.sel $0xFFFF  }
0xc0: {  	[dreg:$0x0] =	wrdreg $0xFFFFFFFF;
	(pc) =	sbr.abs _section_cstart, $3  }
0xc1: {  	[dreg:$0x1] =	wrdreg $0xFFFFFFFF  }
0xc2: {  	_ =	task.clear_ibuf [dreg:s7], $0x2FFFF;
	_ =	strace $0x9FFFFFFF  }
0xc3: {  	(tm) =	ssettm $0x7FFFFFFF  }
tec
execute0_lowered:
.L_overlay_start_1:
0x0: {  	(tag) =	ssettag $0x1  }
0x1: {  	s2 =	rddreg [dreg:$0x0]  }
0x2: {  	s6 =	rddreg [dreg:$0x1]  }
0x3: {  	s0 =	srdreg.scid;
	s3 =	rddreg [dreg:$0x2]  }
0x4: {  	s1 =	stileid.u32;
	s4 =	simm.s32 $0x0;
	s14 =	simm.s32 $0x16400  }
0x5: {  	s15 =	simm.s32 $0x80;
	s16 =	simm.s32 $0x18C00;
	s17 =	simm.s32 $0x1  }
0x6: {  	s18 =	simm.s32 $0x0;
	s7 =	sand.u32 $0x1, s0;
	s9 =	smul.u32 $0x13C00, s1  }
0x7: {  	s0 =	rddreg [dreg:$0x3];
	s5 =	sshll.u32 s1, $0x1;
	s10 =	smul.u32 $0x4F000, s1  }
0x8: {  	[smem:$0x7FF] =	sst s4;
	s31 =	sshll.u32 s1, $0x6;
	s8 =	smul.u32 $0x13C000, s7  }
0x9: {  	s5 =	sor.u32 s7, s5;
	_ =	strace $0x80000047;
	s29 =	ssub.s32 $0x2, s7  }
0xa: {  	s5 =	smul.u32 $0x500, s5;
	s7 =	sshrl.u32 s29, $0x1;
	s30 =	sshrl.u32 s10, $0x2  }
0xb: {  	s8 =	sadd.s32 s9, s8;
	s12 =	ssub.s32 s29, s7;
	s13 =	sadd.s32 s30, s3  }
0xc: {  	s28 =	sadd.s32 s5, s6;
	s8 =	sshrl.u32 s8, $0x3;
	s5 =	sadd.s32 $0x16000, s6  }
0xd: {  	s10 =	smax.u32 s12, $0x1;
	s12 =	simm.s32 $0x2;
	s11 =	sadd.s32 s8, s6  }
0xe: {  	s6 =	sor.u32 $0x1C02, s31;
	s7 =	sadd.s32 $0x2000, s28;
	s8 =	sadd.s32 $0xC000, s28  }
0xf: {  	s9 =	sadd.s32 $0x18800, s11;
	s11 =	sshrl.u32 s13, $0x3;
	s13 =	simm.s32 $0x13C00  }
.LBB2_1:
0x10: {  	[spmem:s11], [sflag:s6] =	dma.local [hbm:s5], $0x2780  }
0x11: {  	_ =	swait.ge [sflag:s12], $0x2780  }
0x12: {  	[sflag:s12] =	ssyncset.done $0x0  }
0x13: {  	[sflag:s12] =	ssyncadd.s32 $0xFFFFD880  }
0x14: {  	[tilespmem:s13], [sflag:$0x2] =	stream.linear.gather [hbm4b:s7+s4], $0x2780, $0x38;
	[tilespmem:$0x1CC00] =	vst v63  }
0x15: {  	_ =	swait.ge [sflag:s12], $0x2780  }
0x16: {  	[sflag:s12] =	ssyncset.done $0x0  }
0x17: {  	[sflag:s12] =	ssyncadd.s32 $0xFFFFD880  }
0x18: {  	[tilespmem:s14], [sflag:$0x2] =	stream.linear.gather [hbm4b:s8+s4], $0x2780, $0x38;
	[tilespmem:$0x1CC00] =	vst v63  }
0x19: {  	_ =	swait.ge [sflag:s12], $0x2780  }
0x1a: {  	[sflag:s12] =	ssyncset.done $0x0  }
0x1b: {  	[sflag:s12] =	ssyncadd.s32 $0xFFFFD880  }
0x1c: {  	s19 =	simm.s32 $0x13C00;
	[bflag:$0x0] =	sbarrier.arrive $0xFFFF  }
0x1d: {  	[tilespmem:s16], [sflag:$0x1] =	stream.indirect.gather [hbm4b:s2+s15], $0x80, s19, s15, $0xb8;
	[tilespmem:$0x1CC00] =	vst v63  }
0x1e: {  	_ =	swait.ge [sflag:s17], $0x4000  }
0x1f: {  	[sflag:s17] =	ssyncset.done $0x0  }
0x20: {  	s31 =	simm.s32 $0x16400;
	[sflag:s17] =	ssyncadd.s32 $0xFFFFC000  }
0x21: {  	[spmem:s3] =	stream.indirect.scatter.add.f32 [tilespmem:s16], [sflag:$0x2], $0x80, s31, s15, $0xb8;
	[tilespmem:$0x1CC00] =	vst v63  }
0x22: {  	_ =	swait.ge [sflag:s12], $0x4000  }
0x23: {  	s20 =	simm.s32 $0x400;
	s19 =	simm.s32 $0x80;
	[sflag:s12] =	ssyncset.done $0x0  }
.LBB2_2:
0x24: {  	s21 =	sadd.s32 $0x13C00, s19  }
0x25: {  	[sflag:s12] =	ssyncadd.s32 $0xFFFFC000;
	s22 =	smov.u32 s20;
	s23 =	sadd.s32 $0x200, s20  }
0x26: {  	[tilespmem:s16], [sflag:$0x1] =	stream.indirect.gather [hbm4b:s2+s15], $0x80, s21, s15, $0xb8;
	[tilespmem:$0x1CC00] =	vst v63  }
0x27: {  	p0 =	sne.s32 s20, $0x9C00;
	_ =	swait.ge [sflag:s17], $0x4000  }
.Ltmp0:
0x28: {  	[sflag:s17] =	ssyncset.done $0x0;
	(pc) =	sbr.rel @p0 .LBB2_2-.Ltmp0, $4  }
0x29: {  	s19 =	sadd.s32 $0x16400, s19;
	[sflag:s17] =	ssyncadd.s32 $0xFFFFC000  }
0x2a: {  	[spmem:s3] =	stream.indirect.scatter.add.f32 [tilespmem:s16], [sflag:$0x2], $0x80, s19, s15, $0xb8;
	[tilespmem:$0x1CC00] =	vst v63  }
0x2b: {  	_ =	swait.ge [sflag:s12], $0x4000  }
0x2c: {  	s20 =	smov.u32 s23;
	s19 =	sshra.s32 s22, $0x2;
	[sflag:s12] =	ssyncset.done $0x0  }
0x2d: {  	s20 =	sadd.s32 $0x13C00, s19;
	[sflag:s12] =	ssyncadd.s32 $0xFFFFC000  }
0x2e: {  	[tilespmem:s16], [sflag:$0x1] =	stream.indirect.gather [hbm4b:s2+s15], $0x80, s20, s15, $0xb8;
	[tilespmem:$0x1CC00] =	vst v63  }
0x2f: {  	_ =	swait.ge [sflag:s17], $0x4000  }
0x30: {  	[sflag:s17] =	ssyncset.done $0x0  }
0x31: {  	s31 =	sadd.s32 $0x16400, s19;
	[sflag:s17] =	ssyncadd.s32 $0xFFFFC000  }
0x32: {  	[spmem:s3] =	stream.indirect.scatter.add.f32 [tilespmem:s16], [sflag:$0x2], $0x80, s31, s15, $0xb8;
	[tilespmem:$0x1CC00] =	vst v63  }
0x33: {  	_ =	swait.ge [sflag:s12], $0x4000  }
0x34: {  	s18 =	sadd.s32 $0x1, s18;
	[sflag:s12] =	ssyncset.done $0x0  }
0x35: {  	p0 =	sne.s32 s18, s10;
	[sflag:s12] =	ssyncadd.s32 $0xFFFFC000  }
.Ltmp1:
0x36: {  	[bflag:$0x0] =	sbarrier.arrive $0xFFFF;
	(pc) =	sbr.rel @p0 .LBB2_1-.Ltmp1, $4  }
0x37: {  	[hbm:s9], [sflag:s6] =	dma.local [spmem:s11], $0x2780  }
0x38: {  	_ =	swait.ge [sflag:s12], $0x2780  }
0x39: {  	[sflag:s12] =	ssyncset.done $0x0  }
0x3a: {  	[sflag:s12] =	ssyncadd.s32 $0xFFFFD880  }
0x3b: {  	_ =	sfence.sel $0x180000  }
0x3c: {  	[bflag:$0x0] =	sbarrier.arrive $0xFFFF  }
0x3d: {  	p0 =	sne.s32 s1, $0x0;
	_ =	strace $0x90000047  }
0x3e: {  	s0 =	sadd.s32 @!p0 $0x100000, s0;
	[bflag:$0x2] =	sbarrier.arrive $0xFFFF  }
0x3f: {  	[sflag:s0] =	ssyncadd.tile.s32 @!p0 $0x1;
	_ =	shalt  }
.Lfunc_end2:
_tile_overlayer_lowered:
.L_overlay_start_2:
0x40: {  	(tag) =	ssettag $0x2  }
0x41: {  	s0 =	rddreg [dreg:$0x0];
	s2 =	stileid.u32  }
0x42: {  	s1 =	rddreg [dreg:$0x1];
	p0 =	sne.s32 s2, $0x0  }
0x43: {  	s3 =	rddreg [dreg:$0x2];
	[bflag:$0x3] =	sbarrier.arrive $0xFFFF;
	s2 =	simm.s32 @!p0 $0x1C02  }
0x44: {  	[timem:s3], [sflag:s2] =	dma.local @!p0 [hbm:s0], s1  }
0x45: {  	s0 =	simm.s32 @!p0 $0x2  }
0x46: {  	_ =	swait.ge @!p0 [sflag:s0], s1  }
0x47: {  	s1 =	ssub.s32 @!p0 $0x0, s1;
	[sflag:s0] =	ssyncset.done @!p0 $0x0  }
0x48: {  	[sflag:s0] =	ssyncadd.s32 @!p0 s1  }
0x49: {  	[bflag:$0x3] =	sbarrier.arrive $0xFFFF  }
0x4a: {  	_ =	shalt  }

</sc_bundles>
